<compile_context>
chip_gen: v7x
topology: tpu7x:2x2x1
jax: 0.10.2.dev20260603
libtpu: 0.0.44.dev20260713+nightly
codegen_flags: <defaults>
</compile_context>

<pallas_src>
import functools

import jax
import jax.numpy as jnp
from jax import lax
from jax.experimental import pallas as pl
from jax.experimental.pallas import tpu as pltpu
from jax.experimental.pallas import tpu_sc as plsc

_D = 128
_S = 1024
_MAX_LEN = 2048
_HI = 3070

_NC = 2
_NS = 16
_NW = _NC * _NS
_ROWS_PER_W = _S // _NW

_G = 2048
_CHUNK = _G // _NS
_LANES = 16


def _make_sc_kernel():
    mesh = plsc.VectorSubcoreMesh(core_axis_name="c", subcore_axis_name="s")

    @functools.partial(
        pl.kernel,
        out_type=jax.ShapeDtypeStruct((_S, _S, _D), jnp.float32),
        mesh=mesh,
        scratch_types=[
            pltpu.VMEM_SHARED((_G, _D), jnp.float32),
            pltpu.VMEM((_CHUNK,), jnp.int32),
            pltpu.VMEM((_CHUNK, _D), jnp.float32),
            pltpu.SemaphoreType.DMA,
        ],
    )
    def sc_kernel(table_hbm, out_hbm, shared, idx_v, buf, sem):
        c = lax.axis_index("c")
        s = lax.axis_index("s")

        top = _HI - _CHUNK * s
        for cb in range(_CHUNK // _LANES):
            idx_v[pl.ds(cb * _LANES, _LANES)] = (
                (top - cb * _LANES) - lax.iota(jnp.int32, _LANES))
        pltpu.async_copy(table_hbm.at[idx_v], buf, sem).wait()
        pltpu.sync_copy(buf, shared.at[pl.ds(_CHUNK * s, _CHUNK), :])

        plsc.subcore_barrier()

        wid = s * _NC + c
        base = wid * _ROWS_PER_W
        depth = 4

        def body(r, carry):
            i = base + r
            start = _S - 1 - i
            cp = pltpu.make_async_copy(
                shared.at[pl.ds(start, _S), :], out_hbm.at[i], sem)
            cp.start()

            @pl.when(r >= depth - 1)
            def _retire():
                cp.wait()

            return carry

        lax.fori_loop(0, _ROWS_PER_W, body, 0)

        for _ in range(depth - 1):
            pltpu.make_async_copy(
                shared.at[pl.ds(0, _S), :], out_hbm.at[base], sem).wait()

    return sc_kernel


_SC_KERNEL = _make_sc_kernel()


def kernel(seq_len, relative_positions):
    del seq_len
    return _SC_KERNEL(relative_positions)

# --- scband reference (transcript-rebuilt; emitter-appended) ---
"""Pipeline reference for scband-relative-positional-encoding-45380624450280 (READ-ONLY COPY).

The authoritative reference and input builder live on the scoring server;
editing this copy changes nothing except your own understanding.
"""

import jax, jax.numpy as jnp
import numpy as np

D_MODEL = 128
MAX_LEN = 2048
SEQ_LEN = 1024

def setup_inputs(seed: int = 0) -> dict:
    key = jax.random.key(seed)
    relative_positions = jax.random.normal(key, (2 * MAX_LEN - 1, D_MODEL), dtype=jnp.float32)
    return {"seq_len": 1024, "relative_positions": relative_positions}

def reference(seq_len, relative_positions):
    positions = jnp.arange(SEQ_LEN) + (seq_len - SEQ_LEN)
    relative_pos = positions[:, None] - positions[None, :]
    relative_pos = relative_pos + MAX_LEN - 1
    relative_pos = jnp.clip(relative_pos, 0, 2 * MAX_LEN - 2)
    return jnp.take(relative_positions, relative_pos, axis=0)

if __name__ == "__main__":
    import jax
    _d = setup_inputs()
    print(jax.jit(kernel)(*tuple(_d.values())))

</pallas_src>

<mosaic_0001>
#map = affine_map<(d0, d1) -> (0, 0)>
#map1 = affine_map<(d0, d1) -> (0, 0, 0)>
module attributes {stable_mosaic.version = 14 : i64} {
  func.func @sc_kernel(%arg0: i32, %arg1: i32, %arg2: memref<4095x128xf32, #tpu.memory_space<hbm>>, %arg3: memref<1024x1024x128xf32, #tpu.memory_space<hbm>>, %arg4: memref<2048x128xf32, #tpu.memory_space<vmem_shared>>, %arg5: memref<128xi32, #tpu.memory_space<vmem>>, %arg6: memref<128x128xf32, #tpu.memory_space<vmem>>, %arg7: memref<!tpu.dma_semaphore, #tpu.memory_space<semaphore_mem>>) attributes {dimension_semantics = [#tpu.dimension_semantics<core_parallel>, #tpu.dimension_semantics<subcore_parallel>], iteration_bounds = array<i64: 2, 16>, scalar_prefetch = 0 : i64, scratch_operands = 4 : i64, tpu.core_type = #tpu.core_type<sc_vector_subcore>, window_params = [{transform_indices = #map}, {transform_indices = #map1}]} {
    %mul3A = arith.constant 128 : i32
    %mul3A_0 = arith.muli %mul3A, %arg1 : i32
    %sub3A = arith.constant 3070 : i32
    %sub3A_1 = arith.subi %sub3A, %mul3A_0 : i32
    %sub3A_2 = arith.constant 0 : i32
    %sub3A_3 = arith.subi %sub3A_1, %sub3A_2 : i32
    %iota3A = tpu.iota {dimensions = array<i32: 0>} : vector<16xi32>
    %sub3A_4 = vector.broadcast %sub3A_3 : i32 to vector<16xi32>
    %sub3A_5 = arith.subi %sub3A_4, %iota3A : vector<16xi32>
    %swap3A = arith.constant 0 : index
    %swap3A_6 = tpu.vector_load %arg5[%swap3A] {strides = array<i32>} : memref<128xi32, #tpu.memory_space<vmem>>, vector<16xi32>,
    %swap3A_7 = vector.shape_cast %swap3A_6 : vector<16xi32> to vector<16xi32>
    %swap3A_8 = vector.shape_cast %sub3A_5 : vector<16xi32> to vector<16xi32>
    tpu.vector_store %arg5[%swap3A], %swap3A_8 {strides = array<i32>} : memref<128xi32, #tpu.memory_space<vmem>>, vector<16xi32>,
    %sub3A_9 = arith.constant 16 : i32
    %sub3A_10 = arith.subi %sub3A_1, %sub3A_9 : i32
    %iota3A_11 = tpu.iota {dimensions = array<i32: 0>} : vector<16xi32>
    %sub3A_12 = vector.broadcast %sub3A_10 : i32 to vector<16xi32>
    %sub3A_13 = arith.subi %sub3A_12, %iota3A_11 : vector<16xi32>
    %swap3A_14 = arith.constant 16 : index
    %swap3A_15 = tpu.vector_load %arg5[%swap3A_14] {strides = array<i32>} : memref<128xi32, #tpu.memory_space<vmem>>, vector<16xi32>,
    %swap3A_16 = vector.shape_cast %swap3A_15 : vector<16xi32> to vector<16xi32>
    %swap3A_17 = vector.shape_cast %sub3A_13 : vector<16xi32> to vector<16xi32>
    tpu.vector_store %arg5[%swap3A_14], %swap3A_17 {strides = array<i32>} : memref<128xi32, #tpu.memory_space<vmem>>, vector<16xi32>,
    %sub3A_18 = arith.constant 32 : i32
    %sub3A_19 = arith.subi %sub3A_1, %sub3A_18 : i32
    %iota3A_20 = tpu.iota {dimensions = array<i32: 0>} : vector<16xi32>
    %sub3A_21 = vector.broadcast %sub3A_19 : i32 to vector<16xi32>
    %sub3A_22 = arith.subi %sub3A_21, %iota3A_20 : vector<16xi32>
    %swap3A_23 = arith.constant 32 : index
    %swap3A_24 = tpu.vector_load %arg5[%swap3A_23] {strides = array<i32>} : memref<128xi32, #tpu.memory_space<vmem>>, vector<16xi32>,
    %swap3A_25 = vector.shape_cast %swap3A_24 : vector<16xi32> to vector<16xi32>
    %swap3A_26 = vector.shape_cast %sub3A_22 : vector<16xi32> to vector<16xi32>
    tpu.vector_store %arg5[%swap3A_23], %swap3A_26 {strides = array<i32>} : memref<128xi32, #tpu.memory_space<vmem>>, vector<16xi32>,
    %sub3A_27 = arith.constant 48 : i32
    %sub3A_28 = arith.subi %sub3A_1, %sub3A_27 : i32
    %iota3A_29 = tpu.iota {dimensions = array<i32: 0>} : vector<16xi32>
    %sub3A_30 = vector.broadcast %sub3A_28 : i32 to vector<16xi32>
    %sub3A_31 = arith.subi %sub3A_30, %iota3A_29 : vector<16xi32>
    %swap3A_32 = arith.constant 48 : index
    %swap3A_33 = tpu.vector_load %arg5[%swap3A_32] {strides = array<i32>} : memref<128xi32, #tpu.memory_space<vmem>>, vector<16xi32>,
    %swap3A_34 = vector.shape_cast %swap3A_33 : vector<16xi32> to vector<16xi32>
    %swap3A_35 = vector.shape_cast %sub3A_31 : vector<16xi32> to vector<16xi32>
    tpu.vector_store %arg5[%swap3A_32], %swap3A_35 {strides = array<i32>} : memref<128xi32, #tpu.memory_space<vmem>>, vector<16xi32>,
    %sub3A_36 = arith.constant 64 : i32
    %sub3A_37 = arith.subi %sub3A_1, %sub3A_36 : i32
    %iota3A_38 = tpu.iota {dimensions = array<i32: 0>} : vector<16xi32>
    %sub3A_39 = vector.broadcast %sub3A_37 : i32 to vector<16xi32>
    %sub3A_40 = arith.subi %sub3A_39, %iota3A_38 : vector<16xi32>
    %swap3A_41 = arith.constant 64 : index
    %swap3A_42 = tpu.vector_load %arg5[%swap3A_41] {strides = array<i32>} : memref<128xi32, #tpu.memory_space<vmem>>, vector<16xi32>,
    %swap3A_43 = vector.shape_cast %swap3A_42 : vector<16xi32> to vector<16xi32>
    %swap3A_44 = vector.shape_cast %sub3A_40 : vector<16xi32> to vector<16xi32>
    tpu.vector_store %arg5[%swap3A_41], %swap3A_44 {strides = array<i32>} : memref<128xi32, #tpu.memory_space<vmem>>, vector<16xi32>,
    %sub3A_45 = arith.constant 80 : i32
    %sub3A_46 = arith.subi %sub3A_1, %sub3A_45 : i32
    %iota3A_47 = tpu.iota {dimensions = array<i32: 0>} : vector<16xi32>
    %sub3A_48 = vector.broadcast %sub3A_46 : i32 to vector<16xi32>
    %sub3A_49 = arith.subi %sub3A_48, %iota3A_47 : vector<16xi32>
    %swap3A_50 = arith.constant 80 : index
    %swap3A_51 = tpu.vector_load %arg5[%swap3A_50] {strides = array<i32>} : memref<128xi32, #tpu.memory_space<vmem>>, vector<16xi32>,
    %swap3A_52 = vector.shape_cast %swap3A_51 : vector<16xi32> to vector<16xi32>
    %swap3A_53 = vector.shape_cast %sub3A_49 : vector<16xi32> to vector<16xi32>
    tpu.vector_store %arg5[%swap3A_50], %swap3A_53 {strides = array<i32>} : memref<128xi32, #tpu.memory_space<vmem>>, vector<16xi32>,
    %sub3A_54 = arith.constant 96 : i32
    %sub3A_55 = arith.subi %sub3A_1, %sub3A_54 : i32
    %iota3A_56 = tpu.iota {dimensions = array<i32: 0>} : vector<16xi32>
    %sub3A_57 = vector.broadcast %sub3A_55 : i32 to vector<16xi32>
    %sub3A_58 = arith.subi %sub3A_57, %iota3A_56 : vector<16xi32>
    %swap3A_59 = arith.constant 96 : index
    %swap3A_60 = tpu.vector_load %arg5[%swap3A_59] {strides = array<i32>} : memref<128xi32, #tpu.memory_space<vmem>>, vector<16xi32>,
    %swap3A_61 = vector.shape_cast %swap3A_60 : vector<16xi32> to vector<16xi32>
    %swap3A_62 = vector.shape_cast %sub3A_58 : vector<16xi32> to vector<16xi32>
    tpu.vector_store %arg5[%swap3A_59], %swap3A_62 {strides = array<i32>} : memref<128xi32, #tpu.memory_space<vmem>>, vector<16xi32>,
    %sub3A_63 = arith.constant 112 : i32
    %sub3A_64 = arith.subi %sub3A_1, %sub3A_63 : i32
    %iota3A_65 = tpu.iota {dimensions = array<i32: 0>} : vector<16xi32>
    %sub3A_66 = vector.broadcast %sub3A_64 : i32 to vector<16xi32>
    %sub3A_67 = arith.subi %sub3A_66, %iota3A_65 : vector<16xi32>
    %swap3A_68 = arith.constant 112 : index
    %swap3A_69 = tpu.vector_load %arg5[%swap3A_68] {strides = array<i32>} : memref<128xi32, #tpu.memory_space<vmem>>, vector<16xi32>,
    %swap3A_70 = vector.shape_cast %swap3A_69 : vector<16xi32> to vector<16xi32>
    %swap3A_71 = vector.shape_cast %sub3A_67 : vector<16xi32> to vector<16xi32>
    tpu.vector_store %arg5[%swap3A_68], %swap3A_71 {strides = array<i32>} : memref<128xi32, #tpu.memory_space<vmem>>, vector<16xi32>,
    %dma_start3A = arith.constant 0 : i32
    %dma_start3A_72 = arith.constant 0 : i32
    %dma_start3A_73 = tpu.memref_slice %arg2[%dma_start3A, %dma_start3A_72] : memref<4095x128xf32, #tpu.memory_space<hbm>> -> memref<4095x128xf32, #tpu.memory_space<hbm>>
    tpu.enqueue_indirect_dma source(%dma_start3A_73 : memref<4095x128xf32, #tpu.memory_space<hbm>>) target(%arg6 : memref<128x128xf32, #tpu.memory_space<vmem>>) offsets(%arg5 : memref<128xi32, #tpu.memory_space<vmem>>) semaphore(%arg7 : memref<!tpu.dma_semaphore, #tpu.memory_space<semaphore_mem>>)
    %dma_wait3A = arith.constant 0 : i32
    %dma_wait3A_74 = arith.constant 0 : i32
    %dma_wait3A_75 = tpu.memref_slice %arg2[%dma_wait3A, %dma_wait3A_74] : memref<4095x128xf32, #tpu.memory_space<hbm>> -> memref<4095x128xf32, #tpu.memory_space<hbm>>
    tpu.wait_indirect_dma semaphore(%arg7 : memref<!tpu.dma_semaphore, #tpu.memory_space<semaphore_mem>>) src(%dma_wait3A_75 : memref<4095x128xf32, #tpu.memory_space<hbm>>) dst(%arg6 : memref<128x128xf32, #tpu.memory_space<vmem>>)
    %mul3A_76 = arith.constant 128 : i32
    %mul3A_77 = arith.muli %mul3A_76, %arg1 : i32
    "tpu.region"() ({
      %run_scoped3A = tpu.sem_alloc : memref<!tpu.dma_semaphore, #tpu.memory_space<semaphore_mem>>
      %dma_start3A_108 = arith.constant 0 : i32
      %dma_start3A_109 = tpu.memref_slice %arg4[%mul3A_77, %dma_start3A_108] : memref<2048x128xf32, #tpu.memory_space<vmem_shared>> -> memref<128x128xf32, #tpu.memory_space<vmem_shared>>
      %dma_start3A_110 = arith.constant 0 : i32
      %dma_start3A_111 = tpu.memref_slice %arg4[%mul3A_77, %dma_start3A_110] : memref<2048x128xf32, #tpu.memory_space<vmem_shared>> -> memref<128x128xf32, #tpu.memory_space<vmem_shared>>
      tpu.enqueue_dma source(%arg6 : memref<128x128xf32, #tpu.memory_space<vmem>>) target(%dma_start3A_111 : memref<128x128xf32, #tpu.memory_space<vmem_shared>>) target_semaphore(%run_scoped3A : memref<!tpu.dma_semaphore, #tpu.memory_space<semaphore_mem>>)
      %dma_wait3A_112 = arith.constant 0 : i32
      %dma_wait3A_113 = tpu.memref_slice %arg4[%mul3A_77, %dma_wait3A_112] : memref<2048x128xf32, #tpu.memory_space<vmem_shared>> -> memref<128x128xf32, #tpu.memory_space<vmem_shared>>
      %dma_wait3A_114 = arith.constant 0 : i32
      %dma_wait3A_115 = tpu.memref_slice %arg4[%mul3A_77, %dma_wait3A_114] : memref<2048x128xf32, #tpu.memory_space<vmem_shared>> -> memref<128x128xf32, #tpu.memory_space<vmem_shared>>
      tpu.wait_dma2 semaphore(%run_scoped3A : memref<!tpu.dma_semaphore, #tpu.memory_space<semaphore_mem>>) src(%arg6 : memref<128x128xf32, #tpu.memory_space<vmem>>) dst(%dma_wait3A_115 : memref<128x128xf32, #tpu.memory_space<vmem_shared>>)
      tpu.yield
    }) : () -> ()
    %barrier3A = arith.constant 0 : index
    tpu.barrier barrier_id(%barrier3A)
    %mul3A_78 = arith.constant 2 : i32
    %mul3A_79 = arith.muli %arg1, %mul3A_78 : i32
    %add3A = arith.addi %mul3A_79, %arg0 : i32
    %mul3A_80 = arith.constant 32 : i32
    %mul3A_81 = arith.muli %add3A, %mul3A_80 : i32
    %scan3A = arith.constant 0 : i32
    %scan3A_82 = arith.constant 0 : i32
    %scan3A_83 = arith.constant 32 : i32
    %scan3A_84 = arith.addi %scan3A_82, %scan3A_83 : i32
    %scan3A_85 = arith.constant 1 : i32
    scf.for %scan3A_108 = %scan3A_82 to %scan3A_84 step %scan3A_85  : i32 {
      %add3A_109 = arith.addi %mul3A_81, %scan3A_108 : i32
      %sub3A_110 = arith.constant 1023 : i32
      %sub3A_111 = arith.subi %sub3A_110, %add3A_109 : i32
      %dma_start3A_112 = arith.constant 0 : i32
      %dma_start3A_113 = arith.constant 0 : i32
      %dma_start3A_114 = tpu.memref_slice %arg3[%add3A_109, %dma_start3A_112, %dma_start3A_113] : memref<1024x1024x128xf32, #tpu.memory_space<hbm>> -> memref<1x1024x128xf32, #tpu.memory_space<hbm>>
      %dma_start3A_115 = tpu.memref_squeeze %dma_start3A_114 : memref<1x1024x128xf32, #tpu.memory_space<hbm>> -> memref<1024x128xf32, #tpu.memory_space<hbm>>
      %dma_start3A_116 = arith.constant 0 : i32
      %dma_start3A_117 = tpu.memref_slice %arg4[%sub3A_111, %dma_start3A_116] : memref<2048x128xf32, #tpu.memory_space<vmem_shared>> -> memref<1024x128xf32, #tpu.memory_space<vmem_shared>>
      tpu.enqueue_dma source(%dma_start3A_117 : memref<1024x128xf32, #tpu.memory_space<vmem_shared>>) target(%dma_start3A_115 : memref<1024x128xf32, #tpu.memory_space<hbm>>) target_semaphore(%arg7 : memref<!tpu.dma_semaphore, #tpu.memory_space<semaphore_mem>>)
      %ge3A = arith.constant 3 : i32
      %ge3A_118 = arith.cmpi sge, %scan3A_108, %ge3A : i32
      %convert_element_type3A = arith.extui %ge3A_118 : i1 to i32
      %cond3A = arith.constant 0 : i32
      %cond3A_119 = arith.cmpi ne, %convert_element_type3A, %cond3A : i32
      scf.if %cond3A_119 {
        %dma_wait3A_120 = arith.constant 0 : i32
        %dma_wait3A_121 = arith.constant 0 : i32
        %dma_wait3A_122 = tpu.memref_slice %arg3[%add3A_109, %dma_wait3A_120, %dma_wait3A_121] : memref<1024x1024x128xf32, #tpu.memory_space<hbm>> -> memref<1x1024x128xf32, #tpu.memory_space<hbm>>
        %dma_wait3A_123 = tpu.memref_squeeze %dma_wait3A_122 : memref<1x1024x128xf32, #tpu.memory_space<hbm>> -> memref<1024x128xf32, #tpu.memory_space<hbm>>
        %dma_wait3A_124 = arith.constant 0 : i32
        %dma_wait3A_125 = tpu.memref_slice %arg4[%sub3A_111, %dma_wait3A_124] : memref<2048x128xf32, #tpu.memory_space<vmem_shared>> -> memref<1024x128xf32, #tpu.memory_space<vmem_shared>>
        tpu.wait_dma2 semaphore(%arg7 : memref<!tpu.dma_semaphore, #tpu.memory_space<semaphore_mem>>) src(%dma_wait3A_125 : memref<1024x128xf32, #tpu.memory_space<vmem_shared>>) dst(%dma_wait3A_123 : memref<1024x128xf32, #tpu.memory_space<hbm>>)
      } else {
      }
    }
    %scan3A_86 = arith.constant 32 : i32
    %dma_wait3A_87 = arith.constant 0 : i32
    %dma_wait3A_88 = arith.constant 0 : i32
    %dma_wait3A_89 = tpu.memref_slice %arg3[%mul3A_81, %dma_wait3A_87, %dma_wait3A_88] : memref<1024x1024x128xf32, #tpu.memory_space<hbm>> -> memref<1x1024x128xf32, #tpu.memory_space<hbm>>
    %dma_wait3A_90 = tpu.memref_squeeze %dma_wait3A_89 : memref<1x1024x128xf32, #tpu.memory_space<hbm>> -> memref<1024x128xf32, #tpu.memory_space<hbm>>
    %dma_wait3A_91 = arith.constant 0 : i32
    %dma_wait3A_92 = arith.constant 0 : i32
    %dma_wait3A_93 = tpu.memref_slice %arg4[%dma_wait3A_91, %dma_wait3A_92] : memref<2048x128xf32, #tpu.memory_space<vmem_shared>> -> memref<1024x128xf32, #tpu.memory_space<vmem_shared>>
    tpu.wait_dma2 semaphore(%arg7 : memref<!tpu.dma_semaphore, #tpu.memory_space<semaphore_mem>>) src(%dma_wait3A_93 : memref<1024x128xf32, #tpu.memory_space<vmem_shared>>) dst(%dma_wait3A_90 : memref<1024x128xf32, #tpu.memory_space<hbm>>)
    %dma_wait3A_94 = arith.constant 0 : i32
    %dma_wait3A_95 = arith.constant 0 : i32
    %dma_wait3A_96 = tpu.memref_slice %arg3[%mul3A_81, %dma_wait3A_94, %dma_wait3A_95] : memref<1024x1024x128xf32, #tpu.memory_space<hbm>> -> memref<1x1024x128xf32, #tpu.memory_space<hbm>>
    %dma_wait3A_97 = tpu.memref_squeeze %dma_wait3A_96 : memref<1x1024x128xf32, #tpu.memory_space<hbm>> -> memref<1024x128xf32, #tpu.memory_space<hbm>>
    %dma_wait3A_98 = arith.constant 0 : i32
    %dma_wait3A_99 = arith.constant 0 : i32
    %dma_wait3A_100 = tpu.memref_slice %arg4[%dma_wait3A_98, %dma_wait3A_99] : memref<2048x128xf32, #tpu.memory_space<vmem_shared>> -> memref<1024x128xf32, #tpu.memory_space<vmem_shared>>
    tpu.wait_dma2 semaphore(%arg7 : memref<!tpu.dma_semaphore, #tpu.memory_space<semaphore_mem>>) src(%dma_wait3A_100 : memref<1024x128xf32, #tpu.memory_space<vmem_shared>>) dst(%dma_wait3A_97 : memref<1024x128xf32, #tpu.memory_space<hbm>>)
    %dma_wait3A_101 = arith.constant 0 : i32
    %dma_wait3A_102 = arith.constant 0 : i32
    %dma_wait3A_103 = tpu.memref_slice %arg3[%mul3A_81, %dma_wait3A_101, %dma_wait3A_102] : memref<1024x1024x128xf32, #tpu.memory_space<hbm>> -> memref<1x1024x128xf32, #tpu.memory_space<hbm>>
    %dma_wait3A_104 = tpu.memref_squeeze %dma_wait3A_103 : memref<1x1024x128xf32, #tpu.memory_space<hbm>> -> memref<1024x128xf32, #tpu.memory_space<hbm>>
    %dma_wait3A_105 = arith.constant 0 : i32
    %dma_wait3A_106 = arith.constant 0 : i32
    %dma_wait3A_107 = tpu.memref_slice %arg4[%dma_wait3A_105, %dma_wait3A_106] : memref<2048x128xf32, #tpu.memory_space<vmem_shared>> -> memref<1024x128xf32, #tpu.memory_space<vmem_shared>>
    tpu.wait_dma2 semaphore(%arg7 : memref<!tpu.dma_semaphore, #tpu.memory_space<semaphore_mem>>) src(%dma_wait3A_107 : memref<1024x128xf32, #tpu.memory_space<vmem_shared>>) dst(%dma_wait3A_104 : memref<1024x128xf32, #tpu.memory_space<hbm>>)
    return
  }
}

</mosaic_0001>

<sc_bundles>
// kernel: kernel.3.cloned.1.call-start
scs
__scs_entry_jumppad:
0x0: {  	(pc) =	sbr.rel $0x88, $3  }
0x1: {  	(tag) =	ssettag $0x0;
	lr =	simm.s32 $0x1  }
0x2: {  	[smem:$0x3FA0] =	sst lr;
	_ =	strace $0xD0000000  }
0x3: {  	_ = 	snop  }
0x4: {  	_ = 	snop  }
0x5: {  	_ = 	snop  }
0x6: {  	_ = 	snop  }
0x7: {  	_ = 	snop  }
__scs_overlays_trampoline_lowered:
0x8: {  	[smem:$0x3FAF] =	sst s0  }
0x9: {  	[smem:$0x3FB0] =	sst s1  }
0xa: {  	[smem:$0x3FB1] =	sst s2  }
0xb: {  	[smem:$0x3FB2] =	sst s3  }
0xc: {  	[smem:$0x3FB3] =	sst s4  }
0xd: {  	[smem:$0x3FB4] =	sst s5  }
0xe: {  	[smem:$0x3FB5] =	sst s6  }
0xf: {  	[smem:$0x3FB6] =	sst s7  }
0x10: {  	[smem:$0x3FB7] =	sst s8  }
0x11: {  	[smem:$0x3FB8] =	sst s9;
	s0 =	simm.s32 @!p0 $0x0  }
0x12: {  	s1 =	sld [smem:$0x3F9E];
	s0 =	simm.s32 @p0 $0x1  }
0x13: {  	[smem:$0x3FB9] =	sst s0;
	s0 =	simm.s32 @!p1 $0x0  }
0x14: {  	s2 =	sld [smem:$0x3F9D];
	s0 =	simm.s32 @p1 $0x1  }
0x15: {  	[smem:$0x3FBA] =	sst s0;
	s0 =	simm.s32 @!p2 $0x0  }
0x16: {  	s3 =	sld [smem:$0x3FDB];
	s0 =	simm.s32 @p2 $0x1  }
0x17: {  	s4 =	simm.s32 $0x1BF5;
	[smem:$0x3FBC] =	sst s0  }
0x18: {  	s0 =	sld [smem:$0x3F9F];
	_ =	swait.ge [sflag:s4], $0x0  }
0x19: {  	s7 =	sld [smem:$0x3FA0]  }
0x1a: {  	s8 =	sadd.s32 $0xFFFFE003, lr  }
0x1b: {  	s9 =	sadd.s32 $0xFFFFFEF7, lr;
	s5 =	simm.s32 $0xFFFFFFFF;
	p2 =	slt.u32 s8, $0xFFFFF086  }
0x1c: {  	p1 =	slt.u32 s9, $0xF7A;
	s5 =	simm.s32 @!p2 $0x0  }
0x1d: {  	s5 =	simm.s32 @p1 $0x1;
	p0 =	seq.s32 s7, s2  }
0x1e: {  	s7 =	smul.u32 @!p0 $0xF7A, s2;
	p2 =	seq.s32 @!p0 s5, $0x0  }
0x1f: {  	s9 =	smul.u32 $0xF7A, s1;
	s8 =	simm.s32 @!p0 $0x1BF5;
	p2 =	por !p2, p0  }
0x20: {  	[sflag:s8] =	ssyncset.s32 @!p0 $0xFFFFF086;
	s6 =	sadd.s32 @!p0 s3, s7;
	s7 =	simm.s32 @!p0 $0x108  }
0x21: {  	s3 =	sadd.s32 s3, s9;
	s6 =	sadd.s32 @!p0 $0x88, s6;
	s7 =	simm.s32 @p2 $0x1082  }
0x22: {  	[simem:s7], [sflag:s8] =	dma.local @!p0 [hbm:s6], $0xF7A  }
0x23: {  	s9 =	sor.u32 $0xD0000000, s2;
	s6 =	simm.s32 $0x108;
	_ =	swait.ge @!p0 [sflag:s8], $0x0  }
0x24: {  	s3 =	sadd.s32 $0x88, s3;
	s6 =	simm.s32 @!p1 $0x1082;
	[sflag:s4] =	ssyncset.s32 $0xFFFFF086  }
0x25: {  	[simem:s6], [sflag:s4] =	dma.local [hbm:s3], $0xF7A  }
0x26: {  	[smem:$0x3FA0] =	sst s1;
	(tag) =	ssettag s2;
	_ =	strace s9  }
0x27: {  	s1 =	sld [smem:$0x3FB0]  }
0x28: {  	s2 =	sld [smem:$0x3FB1]  }
0x29: {  	s4 =	sld [smem:$0x3FB3]  }
0x2a: {  	p0 =	seq.s32 s5, $0x0;
	s5 =	sld [smem:$0x3FB4]  }
0x2b: {  	s6 =	sld [smem:$0x3FB5]  }
0x2c: {  	s7 =	sld [smem:$0x3FB6]  }
0x2d: {  	s3 =	simm.s32 $0x108;
	s8 =	sld [smem:$0x3FB7]  }
0x2e: {  	s3 =	simm.s32 @!p0 $0x1082;
	s9 =	sld [smem:$0x3FB8]  }
0x2f: {  	lr =	sadd.s32 s0, s3;
	s0 =	sld [smem:$0x3FAF]  }
0x30: {  	s3 =	sld [smem:$0x3FB2]  }
0x31: {  	[smem:$0x3FBB] =	sst s10  }
0x32: {  	s10 =	sld [smem:$0x3FB9];
	_ =	sdelay $0x3  }
0x33: {  	p0 =	seq.s32 s10, $0x1;
	s10 =	sld [smem:$0x3FBB];
	_ =	sdelay $0x3  }
0x34: {  	[smem:$0x3FBB] =	sst s10  }
0x35: {  	s10 =	sld [smem:$0x3FBA];
	_ =	sdelay $0x3  }
0x36: {  	p1 =	seq.s32 s10, $0x1;
	s10 =	sld [smem:$0x3FBB];
	_ =	sdelay $0x3  }
0x37: {  	[smem:$0x3FBB] =	sst s10  }
0x38: {  	s10 =	sld [smem:$0x3FBC]  }
0x39: {  	_ = 	snop;
	(pc) =	sbr.ind lr, $3  }
0x3a: {  	_ = 	snop  }
0x3b: {  	_ = 	snop  }
0x3c: {  	p2 =	seq.s32 s10, $0x1;
	s10 =	sld [smem:$0x3FBB]  }
0x3d: {  	_ =	shalt  }
0x3e: {  	_ =	shalt  }
0x3f: {  	_ =	shalt  }
0x40: {  	_ =	shalt  }
0x41: {  	_ =	shalt  }
0x42: {  	_ =	shalt  }
0x43: {  	_ =	shalt  }
0x44: {  	_ =	shalt  }
0x45: {  	_ =	shalt  }
0x46: {  	_ =	shalt  }
0x47: {  	_ =	shalt  }
0x48: {  	_ =	shalt  }
0x49: {  	_ =	shalt  }
0x4a: {  	_ =	shalt  }
0x4b: {  	_ =	shalt  }
0x4c: {  	_ =	shalt  }
0x4d: {  	_ =	shalt  }
0x4e: {  	_ =	shalt  }
0x4f: {  	_ =	shalt  }
0x50: {  	_ =	shalt  }
0x51: {  	_ =	shalt  }
0x52: {  	_ =	shalt  }
0x53: {  	_ =	shalt  }
0x54: {  	_ =	shalt  }
0x55: {  	_ =	shalt  }
0x56: {  	_ =	shalt  }
0x57: {  	_ =	shalt  }
0x58: {  	_ =	shalt  }
0x59: {  	_ =	shalt  }
0x5a: {  	_ =	shalt  }
0x5b: {  	_ =	shalt  }
0x5c: {  	_ =	shalt  }
0x5d: {  	_ =	shalt  }
0x5e: {  	_ =	shalt  }
0x5f: {  	_ =	shalt  }
0x60: {  	_ =	shalt  }
0x61: {  	_ =	shalt  }
0x62: {  	_ =	shalt  }
0x63: {  	_ =	shalt  }
0x64: {  	_ =	shalt  }
0x65: {  	_ =	shalt  }
0x66: {  	_ =	shalt  }
0x67: {  	_ =	shalt  }
0x68: {  	_ =	shalt  }
0x69: {  	_ =	shalt  }
0x6a: {  	_ =	shalt  }
0x6b: {  	_ =	shalt  }
0x6c: {  	_ =	shalt  }
0x6d: {  	_ =	shalt  }
0x6e: {  	_ =	shalt  }
0x6f: {  	_ =	shalt  }
0x70: {  	_ =	shalt  }
0x71: {  	_ =	shalt  }
0x72: {  	_ =	shalt  }
0x73: {  	_ =	shalt  }
0x74: {  	_ =	shalt  }
0x75: {  	_ =	shalt  }
0x76: {  	_ =	shalt  }
0x77: {  	_ =	shalt  }
0x78: {  	_ =	shalt  }
0x79: {  	_ =	shalt  }
0x7a: {  	_ =	shalt  }
0x7b: {  	_ =	shalt  }
0x7c: {  	_ =	shalt  }
0x7d: {  	_ =	shalt  }
0x7e: {  	_ =	shalt  }
0x7f: {  	_ =	shalt  }
0x80: {  	_ =	shalt  }
0x81: {  	_ =	shalt  }
0x82: {  	_ =	shalt  }
0x83: {  	_ =	shalt  }
0x84: {  	_ =	shalt  }
0x85: {  	_ =	shalt  }
0x86: {  	_ =	shalt  }
0x87: {  	_ =	shalt  }
.Lfunc_end0:
.L_simem_size_0:
called_computation_lowered:
.L_overlay_start_0:
0x88: {  	s2 =	sld [smem:$0x3FD9]  }
0x89: {  	s3 =	sld [smem:$0x3FFE];
	_ =	sdelay $0x1  }
0x8a: {  	s1 =	srdreg.scid  }
0x8b: {  	s0 =	sand.u32 $0x1, s1  }
0x8c: {  	s18 =	sshll.u32 s0, $0xA;
	s2 =	sadd.s32 s3, s2  }
0x8d: {  	s2 =	sadd.s32 s2, s18  }
0x8e: {  	[smem:$0x3FC7] =	sst s2  }
0x8f: {  	_ = 	snop  }
0x90: {  	s2 =	sld [smem:$0x3FC9]  }
0x91: {  	s19 =	sld [smem:$0x3FD0];
	(tm) =	ssettm $0x1  }
0x92: {  	s4 =	sld [smem:$0x3FFB];
	_ =	sdelay $0x3  }
0x93: {  	_ =	strace s4  }
0x94: {  	s4 =	sld [smem:$0x3FFC];
	_ =	sdelay $0x3  }
0x95: {  	_ =	strace s4  }
0x96: {  	s4 =	sld [smem:$0x3FFD];
	_ =	sdelay $0x3  }
0x97: {  	_ =	strace s4  }
0x98: {  	_ =	strace $0x8FFFFFFF  }
0x99: {  	s20 =	sld [smem:$0x3FDB];
	_ =	sdelay $0x1  }
0x9a: {  	s5 =	simm.s32 $_scs_section_size  }
0x9b: {  	s6 =	simm.s32 $_size__tile_overlayer_lowered;
	s7 =	simm.s32 $_tile_overlayer_lowered  }
0x9c: {  	s23 =	simm.s32 $0x1BFF;
	s22 =	sshll.u32 s7, $0x1;
	s4 =	sadd.s32 s5, s20  }
0x9d: {  	s8 =	simm.s32 $0x0;
	s21 =	sshll.u32 s6, $0x1;
	s6 =	sadd.s32 s22, s4  }
0x9e: {  	[timem:s8], [sflag:s23] =	dma.local [hbm:s6], s21  }
0x9f: {  	_ =	swait.ge [sflag:s23], s21  }
0xa0: {  	s5 =	ssub.s32 $0x0, s21;
	[sflag:s23] =	ssyncset.done $0x0  }
0xa1: {  	[sflag:s23] =	ssyncadd.s32 s5;
	_ =	sdelay $0x1  }
0xa2: {  	s24 =	simm.s32 $0x1B8B  }
0xa3: {  	_ =	swait.ge [sflag:s24], $0x1  }
0xa4: {  	[sflag:s24] =	ssyncset.done $0x0  }
0xa5: {  	s25 =	simm.s32 $0x1B8E;
	[sflag:s24] =	ssyncadd.s32 $0xFFFFFFFF  }
0xa6: {  	s26 =	simm.s32 $execute0_lowered;
	[smem:$0x3FD2] =	sst s25  }
0xa7: {  	s5 =	sshll.u32 s26, $0x1;
	_ =	strace $0x80000046;
	[dreg:$0x1] =	wrdreg $0xFFFFFFFF  }
0xa8: {  	s28 =	simm.s32 $_size_execute0_lowered;
	s4 =	sadd.s32 s4, s5;
	[dreg:$0x0] =	wrdreg $0x0  }
0xa9: {  	s5 =	sshll.u32 s28, $0x1;
	[dreg:$0x2] =	wrdreg s4  }
0xaa: {  	[dreg:$0x3] =	wrdreg s5  }
0xab: {  	[dreg:$0x4] =	wrdreg $0xC0  }
0xac: {  	_ =	task [dreg:s8], $0x5FFFF  }
0xad: {  	[dreg:$0x1] =	wrdreg $0xFFFFFFFF  }
0xae: {  	[dreg:$0x0] =	wrdreg $0x60  }
0xaf: {  	[dreg:$0x2] =	wrdreg s2  }
0xb0: {  	[dreg:$0x3] =	wrdreg s19  }
0xb1: {  	[dreg:$0x4] =	wrdreg $0x0  }
0xb2: {  	[dreg:$0x5] =	wrdreg $0x9  }
0xb3: {  	_ =	task.clear_ibuf [dreg:s8], $0x6FFFF;
	_ =	strace $0x90000046  }
0xb4: {  	s29 =	simm.s32 $0x9;
	_ =	strace $0x80000048  }
0xb5: {  	_ =	swait.ge [sflag:s29], $0x1  }
0xb6: {  	[sflag:s29] =	ssyncadd.s32 $0xFFFFFFFF  }
0xb7: {  	_ =	strace $0x90000048  }
0xb8: {  	_ =	sfence  }
0xb9: {  	s30 =	sld [smem:$0x0];
	_ =	sdelay $0x2  }
0xba: {  	s31 =	sshll.u32 s1, $0xD;
	s1 =	sshrl.u32 s1, $0x2  }
0xbb: {  	s3 =	sand.u32 $0x4000, s31;
	s1 =	sadd.s32 s1, s30  }
0xbc: {  	s0 =	sor.u32 s3, s0;
	s1 =	sshll.u32 s1, $0x11  }
0xbd: {  	s0 =	sor.u32 s1, s0  }
0xbe: {  	s0 =	sadd.s32 $0x8F2B, s0  }
0xbf: {  	[sflag:s0] =	ssyncadd.remote.s32 $0x1  }
0xc0: {  	_ =	sfence.sel $0xFFFF  }
0xc1: {  	[dreg:$0x0] =	wrdreg $0xFFFFFFFF;
	(pc) =	sbr.abs _section_cstart, $3  }
0xc2: {  	[dreg:$0x1] =	wrdreg $0xFFFFFFFF  }
0xc3: {  	_ =	task.clear_ibuf [dreg:s8], $0x2FFFF;
	_ =	strace $0x9FFFFFFF  }
0xc4: {  	(tm) =	ssettm $0x7FFFFFFF  }
0xc5: {  	_ =	shalt  }
tec
execute0_lowered:
.L_overlay_start_1:
0x0: {  	(tag) =	ssettag $0x1  }
0x1: {  	s1 =	rddreg [dreg:$0x0]  }
0x2: {  	s7 =	rddreg [dreg:$0x1]  }
0x3: {  	s0 =	srdreg.scid;
	s10 =	rddreg [dreg:$0x2];
	s3 =	simm.s32 $0x0  }
0x4: {  	s2 =	stileid.u32;
	s8 =	sand.u32 $0x1, s0;
	s0 =	rddreg [dreg:$0x3]  }
0x5: {  	[smem:$0x7FF] =	sst s3;
	s11 =	sshll.u32 s2, $0x7;
	s16 =	sshll.u32 s2, $0x6  }
0x6: {  	s28 =	sshll.u32 s2, $0xF;
	s29 =	sshll.u32 s2, $0xE;
	s4 =	ssub.s32 $0x2, s8  }
0x7: {  	_ =	strace $0x80000047;
	s12 =	ssub.s32 $0xBFE, s11;
	s13 =	ssub.s32 $0xBEE, s11  }
0x8: {  	v0 =	vlaneseq.u32;
	s14 =	ssub.s32 $0xBDE, s11;
	s15 =	ssub.s32 $0xBCE, s11;
	s23 =	sshll.u32 s8, $0x5  }
0x9: {  	v7 =	vmul.u32 $0xFFFFFFFF, v0;
	s17 =	ssub.s32 $0xBBE, s11;
	s18 =	ssub.s32 $0xBAE, s11;
	s20 =	ssub.s32 $0xB9E, s11  }
0xa: {  	s25 =	sshll.u32 s8, $0x13;
	s26 =	sshll.u32 s8, $0xE;
	s5 =	sshrl.u32 s4, $0x1  }
0xb: {  	s19 =	sor.u32 s23, s16;
	s23 =	sshll.u32 s2, $0x14;
	v0 =	vadd.s32 s12, v7;
	s12 =	simm.s32 $0x4000  }
0xc: {  	v1 =	vadd.s32 s13, v7;
	s13 =	simm.s32 $0x4080;
	v2 =	vadd.s32 s14, v7;
	v3 =	vadd.s32 s15, v7;
	s14 =	simm.s32 $0x1;
	s15 =	simm.s32 $0x2  }
0xd: {  	s16 =	sor.u32 $0x1C01, s16;
	s9 =	ssub.s32 s4, s5;
	s4 =	sshll.u32 s19, $0xE  }
0xe: {  	s21 =	sor.u32 $0x1, s19;
	s22 =	sor.u32 $0x2, s19;
	s30 =	sshll.u32 s19, $0x7  }
0xf: {  	s19 =	ssub.s32 $0xB8E, s11;
	s11 =	simm.s32 $0x80;
	s4 =	sadd.s32 s7, s4  }
0x10: {  	s24 =	sshll.u32 s21, $0xE;
	s6 =	sshll.u32 s22, $0xE;
	s31 =	ssub.s32 s10, s30  }
0x11: {  	s8 =	smax.u32 s9, $0x1;
	s21 =	sshll.u32 s21, $0x7;
	s22 =	sshll.u32 s22, $0x7  }
0x12: {  	s5 =	sadd.s32 s7, s24;
	s6 =	sadd.s32 s7, s6;
	s7 =	sadd.s32 s23, s7  }
0x13: {  	s24 =	sor.u32 s28, s26;
	s9 =	ssub.s32 s10, s21;
	s23 =	sadd.s32 s25, s7  }
0x14: {  	s7 =	sadd.s32 s29, s10;
	s25 =	sadd.s32 $0x1FF80, s31;
	s26 =	sxor.u32 $0x7F800, s24  }
0x15: {  	s28 =	sadd.s32 $0x1FF80, s9;
	s29 =	ssub.s32 s10, s22;
	s30 =	sshrl.u32 s26, $0x2  }
0x16: {  	v4 =	vadd.s32 s17, v7;
	s31 =	sadd.s32 $0x1FF80, s29;
	s9 =	sadd.s32 $0xC000, s23;
	s17 =	sshrl.u32 s25, $0x3  }
0x17: {  	v5 =	vadd.s32 s18, v7;
	v6 =	vadd.s32 s20, v7;
	v7 =	vadd.s32 s19, v7;
	s18 =	sshrl.u32 s28, $0x3;
	s10 =	sadd.s32 s30, s10;
	s19 =	sshrl.u32 s31, $0x3  }
.LBB2_1:
0x18: {  	[tilespmem:$0x4000] =	vst v0  }
0x19: {  	[tilespmem:$0x4010] =	vst v1  }
0x1a: {  	[tilespmem:$0x4020] =	vst v2  }
0x1b: {  	[tilespmem:$0x4030] =	vst v3  }
0x1c: {  	[tilespmem:$0x4040] =	vst v4  }
0x1d: {  	[tilespmem:$0x4050] =	vst v5  }
0x1e: {  	[tilespmem:$0x4060] =	vst v6  }
0x1f: {  	[tilespmem:$0x4070] =	vst v7  }
0x20: {  	[tilespmem:s13], [sflag:$0x1] =	stream.indirect.gather [hbm4b:s1+s11], $0x80, s12, s11, $0xb8;
	[tilespmem:$0x8080] =	vst v63  }
0x21: {  	_ =	swait.ge [sflag:s14], $0x4000  }
0x22: {  	[sflag:s14] =	ssyncset.done $0x0  }
0x23: {  	[sflag:s14] =	ssyncadd.s32 $0xFFFFC000  }
0x24: {  	[spmem:s7] =	stream.linear.scatter [tilespmem:s13], [sflag:$0x2], $0x4000, $0x38;
	[tilespmem:$0x8080] =	vst v63  }
0x25: {  	_ =	swait.ge [sflag:s15], $0x4000  }
0x26: {  	[sflag:s15] =	ssyncset.done $0x0  }
0x27: {  	s20 =	sadd.s32 $0x0, s10;
	[sflag:s15] =	ssyncadd.s32 $0xFFFFC000  }
0x28: {  	s20 =	sshrl.u32 s20, $0x3;
	[bflag:$0x0] =	sbarrier.arrive $0xFFFF  }
0x29: {  	[hbm:s4], [sflag:s16] =	dma.local [spmem:s17], $0x4000  }
0x2a: {  	[hbm:s5], [sflag:s16] =	dma.local [spmem:s18], $0x4000  }
0x2b: {  	[hbm:s6], [sflag:s16] =	dma.local [spmem:s19], $0x4000  }
0x2c: {  	[hbm:s9], [sflag:s16] =	dma.local [spmem:s20], $0x4000  }
0x2d: {  	s21 =	smov.u32 s9;
	s20 =	simm.s32 $0xFFFFFE00;
	_ =	swait.ge [sflag:s14], $0x4000  }
.LBB2_2:
0x2e: {  	s22 =	sshra.s32 s20, $0x2  }
0x2f: {  	[sflag:s14] =	ssyncset.done $0x0;
	s21 =	sadd.s32 $0x4000, s21;
	p0 =	sne.s32 s20, $0xFFFFC800  }
.Ltmp0:
0x30: {  	s22 =	sadd.s32 s22, s10;
	[sflag:s14] =	ssyncadd.s32 $0xFFFFC000;
	(pc) =	sbr.rel @p0 .LBB2_2-.Ltmp0, $4  }
0x31: {  	s20 =	sadd.s32 $0xFFFFFE00, s20;
	s22 =	sshrl.u32 s22, $0x3  }
0x32: {  	[hbm:s21], [sflag:s16] =	dma.local [spmem:s22], $0x4000  }
0x33: {  	_ = 	snop  }
0x34: {  	_ =	swait.ge [sflag:s14], $0x4000  }
0x35: {  	[sflag:s14] =	ssyncset.done $0x0  }
0x36: {  	[sflag:s14] =	ssyncadd.s32 $0xFFFFC000  }
0x37: {  	_ =	swait.ge [sflag:s14], $0x4000  }
0x38: {  	[sflag:s14] =	ssyncset.done $0x0  }
0x39: {  	s3 =	sadd.s32 $0x1, s3;
	[sflag:s14] =	ssyncadd.s32 $0xFFFFC000  }
0x3a: {  	p0 =	sne.s32 s3, s8;
	_ =	swait.ge [sflag:s14], $0x4000  }
.Ltmp1:
0x3b: {  	[sflag:s14] =	ssyncset.done $0x0;
	(pc) =	sbr.rel @p0 .LBB2_1-.Ltmp1, $4  }
0x3c: {  	[sflag:s14] =	ssyncadd.s32 $0xFFFFC000  }
0x3d: {  	_ =	swait.ge [sflag:s14], $0x4000  }
0x3e: {  	[sflag:s14] =	ssyncset.done $0x0  }
0x3f: {  	[sflag:s14] =	ssyncadd.s32 $0xFFFFC000  }
0x40: {  	_ =	sfence.sel $0x180000  }
0x41: {  	[bflag:$0x0] =	sbarrier.arrive $0xFFFF  }
0x42: {  	p0 =	sne.s32 s2, $0x0;
	_ =	strace $0x90000047  }
0x43: {  	s0 =	sadd.s32 @!p0 $0x100000, s0;
	[bflag:$0x2] =	sbarrier.arrive $0xFFFF  }
0x44: {  	[sflag:s0] =	ssyncadd.tile.s32 @!p0 $0x1;
	_ =	shalt  }
.Lfunc_end2:
_tile_overlayer_lowered:
.L_overlay_start_2:
0x45: {  	(tag) =	ssettag $0x2  }
0x46: {  	s0 =	rddreg [dreg:$0x0];
	s2 =	stileid.u32  }
0x47: {  	s1 =	rddreg [dreg:$0x1];
	p0 =	sne.s32 s2, $0x0  }
0x48: {  	s3 =	rddreg [dreg:$0x2];
	[bflag:$0x3] =	sbarrier.arrive $0xFFFF;
	s2 =	simm.s32 @!p0 $0x1C02  }
0x49: {  	[timem:s3], [sflag:s2] =	dma.local @!p0 [hbm:s0], s1  }
0x4a: {  	s0 =	simm.s32 @!p0 $0x2  }
0x4b: {  	_ =	swait.ge @!p0 [sflag:s0], s1  }
0x4c: {  	s1 =	ssub.s32 @!p0 $0x0, s1;
	[sflag:s0] =	ssyncset.done @!p0 $0x0  }
0x4d: {  	[sflag:s0] =	ssyncadd.s32 @!p0 s1  }
0x4e: {  	[bflag:$0x3] =	sbarrier.arrive $0xFFFF  }
0x4f: {  	_ =	shalt  }

</sc_bundles>
